<compile_context>
chip_gen: v7x
topology: tpu7x:2x2x1
jax: 0.10.2.dev20260603
libtpu: 0.0.44.dev20260713+nightly
codegen_flags: <defaults>
</compile_context>

<pallas_src>
import jax
import jax.numpy as jnp
from jax import lax
from jax.experimental import pallas as pl
from jax.experimental.pallas import tpu as pltpu
from jax.experimental.pallas import tpu_sc as plsc

N = 1985
N_MLLM = 1000
N_BYT5 = 256
NCH1 = 80
PAD = 2048
NCH = PAD // 16


def _partition_body(mllm_hbm, byt5_hbm, idx_hbm, zmask_hbm,
                    comb_v, idx_v, zmask_v, sem1, sem2):
    @pl.when(lax.axis_index("s") == 0)
    def _():
        zeros16 = jnp.zeros((16,), jnp.float32)
        cp1 = pltpu.make_async_copy(mllm_hbm, comb_v.at[pl.ds(0, N_MLLM)], sem1)
        cp1.start()
        comb_v[pl.ds(1248, 16)] = zeros16
        comb_v[pl.ds(1264, 16)] = zeros16
        cp2 = pltpu.make_async_copy(byt5_hbm, comb_v.at[pl.ds(N_MLLM, N_BYT5)], sem2)
        cp2.start()

        cp1.wait()
        cp2.wait()

        @plsc.parallel_loop(0, NCH1, unroll=4, carry=zeros16)
        def acc(j, a):
            return a + comb_v[pl.ds(j * 16, 16)]

        nv = jnp.sum(acc, axis=0).astype(jnp.int32)

        @plsc.parallel_loop(0, NCH1, unroll=4, carry=jnp.zeros((16,), jnp.int32))
        def _c1(j, c1_vec):
            v = comb_v[pl.ds(j * 16, 16)]
            pos = lax.iota(jnp.int32, 16) + j * 16
            m1 = v == 1.0
            m1_i = m1.astype(jnp.int32)
            pop = plsc.all_reduce_population_count(m1)
            ones_before = c1_vec + plsc.cumsum(m1_i) - m1_i
            dest = jnp.where(m1, ones_before, nv + pos - ones_before)
            plsc.store_scatter(idx_v, [dest], pos)
            zmask_v[pl.ds(j * 16, 16)] = jnp.where(
                pos < nv, jnp.float32(1.0), jnp.float32(0.0)
            )
            return c1_vec + pop

        cp5 = pltpu.make_async_copy(
            idx_v.at[pl.ds(0, NCH1 * 16)], idx_hbm.at[pl.ds(0, NCH1 * 16)], sem1)
        cp6 = pltpu.make_async_copy(
            zmask_v.at[pl.ds(0, NCH1 * 16)], zmask_hbm.at[pl.ds(0, NCH1 * 16)],
            sem2)
        cp5.start()
        cp6.start()
        cp5.wait()
        cp6.wait()


_partition = pl.kernel(
    _partition_body,
    out_type=(
        jax.ShapeDtypeStruct((NCH1 * 16,), jnp.int32),
        jax.ShapeDtypeStruct((NCH1 * 16,), jnp.float32),
    ),
    mesh=plsc.VectorSubcoreMesh(
        core_axis_name="c", subcore_axis_name="s", num_cores=1),
    compiler_params=pltpu.CompilerParams(needs_layout_passes=False),
    scratch_types=[
        pltpu.VMEM((NCH1 * 16,), jnp.float32),
        pltpu.VMEM((NCH1 * 16,), jnp.int32),
        pltpu.VMEM((NCH1 * 16,), jnp.float32),
        pltpu.SemaphoreType.DMA,
        pltpu.SemaphoreType.DMA,
    ],
)


@jax.jit
def kernel(mllm_mask, byt5_mask):
    idx_head, zmask_head = _partition(mllm_mask, byt5_mask)
    tail_idx = jnp.arange(NCH1 * 16, N, dtype=jnp.int32)
    tail_zmask = jnp.zeros(N - NCH1 * 16, dtype=jnp.float32)
    idx = jnp.concatenate([idx_head, tail_idx])
    zmask = jnp.concatenate([zmask_head, tail_zmask])
    return idx, zmask

# --- scband reference (transcript-rebuilt; emitter-appended) ---
"""Pipeline reference for scband-token-reorder-model-31834297598239 (READ-ONLY COPY).

The authoritative reference and input builder live on the scoring server;
editing this copy changes nothing except your own understanding.
"""

import jax, jax.numpy as jnp
import numpy as np


def setup_inputs(seed: int = 0) -> dict:
    key = jax.random.key(seed)
    k1, k2 = jax.random.split(key)
    mllm_mask = jax.random.randint(k1, (1000,), 0, 2).astype(jnp.float32)
    byt5_mask = jax.random.randint(k2, (256,), 0, 2).astype(jnp.float32)
    return {"mllm_mask": mllm_mask, "byt5_mask": byt5_mask}


def reference(mllm_mask, byt5_mask):
    # buffers (constants registered in __init__)
    im_zeros = jnp.zeros(729, dtype=jnp.float32)
    offsets = jnp.concatenate([
        jnp.arange(1000, dtype=jnp.int64),
        jnp.arange(256, dtype=jnp.int64) + 1000,
        jnp.arange(729, dtype=jnp.int64) + 1256,
    ])
    positions = jnp.arange(1985, dtype=jnp.float32)

    combined = jnp.concatenate([mllm_mask, byt5_mask, im_zeros])
    # torch.sort(-combined, stable=True) -> stable ascending argsort of negated values
    sort_idx = jnp.argsort(-combined.astype(jnp.float32), stable=True)
    idx = jnp.take(offsets, sort_idx, axis=0)
    n_valid = combined.sum()
    zero_mask = (positions < n_valid).astype(jnp.float32)
    return (idx, zero_mask)

if __name__ == "__main__":
    import jax
    _d = setup_inputs()
    print(jax.jit(kernel)(*tuple(_d.values())))

</pallas_src>

<mosaic_0001>
#map = affine_map<(d0, d1) -> (0)>
module attributes {stable_mosaic.version = 14 : i64} {
  func.func @_partition_body(%arg0: i32, %arg1: i32, %arg2: memref<1000xf32, #tpu.memory_space<hbm>>, %arg3: memref<256xf32, #tpu.memory_space<hbm>>, %arg4: memref<1280xi32, #tpu.memory_space<hbm>>, %arg5: memref<1280xf32, #tpu.memory_space<hbm>>, %arg6: memref<1280xf32, #tpu.memory_space<vmem>>, %arg7: memref<1280xi32, #tpu.memory_space<vmem>>, %arg8: memref<1280xf32, #tpu.memory_space<vmem>>, %arg9: memref<!tpu.dma_semaphore, #tpu.memory_space<semaphore_mem>>, %arg10: memref<!tpu.dma_semaphore, #tpu.memory_space<semaphore_mem>>) attributes {dimension_semantics = [#tpu.dimension_semantics<core_parallel>, #tpu.dimension_semantics<subcore_parallel>], iteration_bounds = array<i64: 1, 16>, scalar_prefetch = 0 : i64, scratch_operands = 5 : i64, tpu.core_type = #tpu.core_type<sc_vector_subcore>, window_params = [{transform_indices = #map}, {transform_indices = #map}, {transform_indices = #map}, {transform_indices = #map}]} {
    %eq3A = arith.constant 0 : i32
    %eq3A_0 = arith.cmpi eq, %arg1, %eq3A : i32
    %convert_element_type3A = arith.extui %eq3A_0 : i1 to i32
    %cond3A = arith.constant 0 : i32
    %cond3A_1 = arith.cmpi ne, %convert_element_type3A, %cond3A : i32
    scf.if %cond3A_1 {
      %broadcast_in_dim3A = arith.constant 0.000000e+00 : f32
      %broadcast_in_dim3A_2 = vector.broadcast %broadcast_in_dim3A : f32 to vector<16xf32>
      %dma_start3A = arith.constant 0 : i32
      %dma_start3A_3 = tpu.memref_slice %arg6[%dma_start3A] : memref<1280xf32, #tpu.memory_space<vmem>> -> memref<1000xf32, #tpu.memory_space<vmem>>
      %dma_start3A_4 = arith.constant 0 : i32
      %dma_start3A_5 = tpu.memref_slice %arg6[%dma_start3A_4] : memref<1280xf32, #tpu.memory_space<vmem>> -> memref<1000xf32, #tpu.memory_space<vmem>>
      tpu.enqueue_dma source(%arg2 : memref<1000xf32, #tpu.memory_space<hbm>>) target(%dma_start3A_5 : memref<1000xf32, #tpu.memory_space<vmem>>) target_semaphore(%arg9 : memref<!tpu.dma_semaphore, #tpu.memory_space<semaphore_mem>>)
      %swap3A = arith.constant 1248 : index
      %swap3A_6 = tpu.vector_load %arg6[%swap3A] {strides = array<i32>} : memref<1280xf32, #tpu.memory_space<vmem>>, vector<16xf32>,
      tpu.vector_store %arg6[%swap3A], %broadcast_in_dim3A_2 {strides = array<i32>} : memref<1280xf32, #tpu.memory_space<vmem>>, vector<16xf32>,
      %swap3A_7 = arith.constant 1264 : index
      %swap3A_8 = tpu.vector_load %arg6[%swap3A_7] {strides = array<i32>} : memref<1280xf32, #tpu.memory_space<vmem>>, vector<16xf32>,
      tpu.vector_store %arg6[%swap3A_7], %broadcast_in_dim3A_2 {strides = array<i32>} : memref<1280xf32, #tpu.memory_space<vmem>>, vector<16xf32>,
      %dma_start3A_9 = arith.constant 1000 : i32
      %dma_start3A_10 = tpu.memref_slice %arg6[%dma_start3A_9] : memref<1280xf32, #tpu.memory_space<vmem>> -> memref<256xf32, #tpu.memory_space<vmem>>
      %dma_start3A_11 = arith.constant 1000 : i32
      %dma_start3A_12 = tpu.memref_slice %arg6[%dma_start3A_11] : memref<1280xf32, #tpu.memory_space<vmem>> -> memref<256xf32, #tpu.memory_space<vmem>>
      tpu.enqueue_dma source(%arg3 : memref<256xf32, #tpu.memory_space<hbm>>) target(%dma_start3A_12 : memref<256xf32, #tpu.memory_space<vmem>>) target_semaphore(%arg10 : memref<!tpu.dma_semaphore, #tpu.memory_space<semaphore_mem>>)
      %dma_wait3A = arith.constant 0 : i32
      %dma_wait3A_13 = tpu.memref_slice %arg6[%dma_wait3A] : memref<1280xf32, #tpu.memory_space<vmem>> -> memref<1000xf32, #tpu.memory_space<vmem>>
      %dma_wait3A_14 = arith.constant 0 : i32
      %dma_wait3A_15 = tpu.memref_slice %arg6[%dma_wait3A_14] : memref<1280xf32, #tpu.memory_space<vmem>> -> memref<1000xf32, #tpu.memory_space<vmem>>
      tpu.wait_dma2 semaphore(%arg9 : memref<!tpu.dma_semaphore, #tpu.memory_space<semaphore_mem>>) src(%arg2 : memref<1000xf32, #tpu.memory_space<hbm>>) dst(%dma_wait3A_15 : memref<1000xf32, #tpu.memory_space<vmem>>)
      %dma_wait3A_16 = arith.constant 1000 : i32
      %dma_wait3A_17 = tpu.memref_slice %arg6[%dma_wait3A_16] : memref<1280xf32, #tpu.memory_space<vmem>> -> memref<256xf32, #tpu.memory_space<vmem>>
      %dma_wait3A_18 = arith.constant 1000 : i32
      %dma_wait3A_19 = tpu.memref_slice %arg6[%dma_wait3A_18] : memref<1280xf32, #tpu.memory_space<vmem>> -> memref<256xf32, #tpu.memory_space<vmem>>
      tpu.wait_dma2 semaphore(%arg10 : memref<!tpu.dma_semaphore, #tpu.memory_space<semaphore_mem>>) src(%arg3 : memref<256xf32, #tpu.memory_space<hbm>>) dst(%dma_wait3A_19 : memref<256xf32, #tpu.memory_space<vmem>>)
      %parallel_loop3A = arith.constant 0 : i32
      %parallel_loop3A_20 = arith.constant 80 : i32
      %parallel_loop3A_21 = arith.constant 1 : i32
      %parallel_loop3A_22 = scf.for %parallel_loop3A_65 = %parallel_loop3A to %parallel_loop3A_20 step %parallel_loop3A_21 iter_args(%parallel_loop3A_66 = %broadcast_in_dim3A_2) -> (vector<16xf32>)  : i32 {
        %parallel_loop3A_67 = arith.constant 16 : i32
        %parallel_loop3A_68 = arith.muli %parallel_loop3A_65, %parallel_loop3A_67 : i32
        %parallel_loop3A_69 = arith.index_cast %parallel_loop3A_68 : i32 to index
        %parallel_loop3A_70 = tpu.vector_load %arg6[%parallel_loop3A_69] {strides = array<i32>} : memref<1280xf32, #tpu.memory_space<vmem>>, vector<16xf32>,
        %parallel_loop3A_71 = arith.addf %parallel_loop3A_66, %parallel_loop3A_70 : vector<16xf32>
        scf.yield %parallel_loop3A_71 : vector<16xf32>
      } {sc.loop_unroll_factor = 4 : i64, sc.parallel_access}
      %reduce_sum3A = arith.constant true
      %reduce_sum3A_23 = vector.broadcast %reduce_sum3A : i1 to vector<16xi1>
      %reduce_sum3A_24 = tpu.scan <sum>, %parallel_loop3A_22 masked %reduce_sum3A_23 : vector<16xf32>, vector<16xi1> -> vector<16xf32>
      %reduce_sum3A_25 = vector.extract %reduce_sum3A_24[15] : f32 from vector<16xf32>
      %convert_element_type3A_26 = arith.fptosi %reduce_sum3A_25 : f32 to i32
      %broadcast_in_dim3A_27 = arith.constant 0 : i32
      %broadcast_in_dim3A_28 = vector.broadcast %broadcast_in_dim3A_27 : i32 to vector<16xi32>
      %parallel_loop3A_29 = arith.constant 0 : i32
      %parallel_loop3A_30 = arith.constant 80 : i32
      %parallel_loop3A_31 = arith.constant 1 : i32
      %parallel_loop3A_32 = scf.for %parallel_loop3A_65 = %parallel_loop3A_29 to %parallel_loop3A_30 step %parallel_loop3A_31 iter_args(%parallel_loop3A_66 = %broadcast_in_dim3A_28) -> (vector<16xi32>)  : i32 {
        %parallel_loop3A_67 = arith.constant 16 : i32
        %parallel_loop3A_68 = arith.muli %parallel_loop3A_65, %parallel_loop3A_67 : i32
        %parallel_loop3A_69 = arith.index_cast %parallel_loop3A_68 : i32 to index
        %parallel_loop3A_70 = tpu.vector_load %arg6[%parallel_loop3A_69] {strides = array<i32>} : memref<1280xf32, #tpu.memory_space<vmem>>, vector<16xf32>,
        %parallel_loop3A_71 = tpu.iota {dimensions = array<i32: 0>} : vector<16xi32>
        %parallel_loop3A_72 = arith.constant 16 : i32
        %parallel_loop3A_73 = arith.muli %parallel_loop3A_65, %parallel_loop3A_72 : i32
        %parallel_loop3A_74 = vector.broadcast %parallel_loop3A_73 : i32 to vector<16xi32>
        %parallel_loop3A_75 = arith.addi %parallel_loop3A_71, %parallel_loop3A_74 : vector<16xi32>
        %parallel_loop3A_76 = arith.constant 1.000000e+00 : f32
        %parallel_loop3A_77 = vector.broadcast %parallel_loop3A_76 : f32 to vector<16xf32>
        %parallel_loop3A_78 = arith.cmpf oeq, %parallel_loop3A_70, %parallel_loop3A_77 : vector<16xf32>
        %parallel_loop3A_79 = arith.extui %parallel_loop3A_78 : vector<16xi1> to vector<16xi32>
        %parallel_loop3A_80 = tpu.all_reduce %parallel_loop3A_78 {dim = 0 : i64, kind = #tpu.reduction_kind<sum>} : vector<16xi1> -> vector<16xi32>
        %parallel_loop3A_81 = arith.constant true
        %parallel_loop3A_82 = vector.broadcast %parallel_loop3A_81 : i1 to vector<16xi1>
        %parallel_loop3A_83 = tpu.scan <sum>, %parallel_loop3A_79 masked %parallel_loop3A_82 : vector<16xi32>, vector<16xi1> -> vector<16xi32>
        %parallel_loop3A_84 = arith.addi %parallel_loop3A_66, %parallel_loop3A_83 : vector<16xi32>
        %parallel_loop3A_85 = arith.subi %parallel_loop3A_84, %parallel_loop3A_79 : vector<16xi32>
        %parallel_loop3A_86 = vector.broadcast %convert_element_type3A_26 : i32 to vector<16xi32>
        %parallel_loop3A_87 = arith.addi %parallel_loop3A_86, %parallel_loop3A_75 : vector<16xi32>
        %parallel_loop3A_88 = arith.subi %parallel_loop3A_87, %parallel_loop3A_85 : vector<16xi32>
        %parallel_loop3A_89 = arith.select %parallel_loop3A_78, %parallel_loop3A_85, %parallel_loop3A_88 : vector<16xi1>, vector<16xi32>
        tpu.vector_store_idx %arg7[%parallel_loop3A_89], %parallel_loop3A_75 : memref<1280xi32, #tpu.memory_space<vmem>>[vector<16xi32>], vector<16xi32>,
        %parallel_loop3A_90 = vector.broadcast %convert_element_type3A_26 : i32 to vector<16xi32>
        %parallel_loop3A_91 = arith.cmpi slt, %parallel_loop3A_75, %parallel_loop3A_90 : vector<16xi32>
        %parallel_loop3A_92 = arith.constant 1.000000e+00 : f32
        %parallel_loop3A_93 = arith.constant 0.000000e+00 : f32
        %parallel_loop3A_94 = vector.broadcast %parallel_loop3A_92 : f32 to vector<16xf32>
        %parallel_loop3A_95 = vector.broadcast %parallel_loop3A_93 : f32 to vector<16xf32>
        %parallel_loop3A_96 = arith.select %parallel_loop3A_91, %parallel_loop3A_94, %parallel_loop3A_95 : vector<16xi1>, vector<16xf32>
        %parallel_loop3A_97 = arith.constant 16 : i32
        %parallel_loop3A_98 = arith.muli %parallel_loop3A_65, %parallel_loop3A_97 : i32
        %parallel_loop3A_99 = arith.index_cast %parallel_loop3A_98 : i32 to index
        %parallel_loop3A_100 = tpu.vector_load %arg8[%parallel_loop3A_99] {strides = array<i32>} : memref<1280xf32, #tpu.memory_space<vmem>>, vector<16xf32>,
        tpu.vector_store %arg8[%parallel_loop3A_99], %parallel_loop3A_96 {strides = array<i32>} : memref<1280xf32, #tpu.memory_space<vmem>>, vector<16xf32>,
        %parallel_loop3A_101 = arith.addi %parallel_loop3A_66, %parallel_loop3A_80 : vector<16xi32>
        scf.yield %parallel_loop3A_101 : vector<16xi32>
      } {sc.loop_unroll_factor = 4 : i64, sc.parallel_access}
      %dma_start3A_33 = arith.constant 0 : i32
      %dma_start3A_34 = tpu.memref_slice %arg7[%dma_start3A_33] : memref<1280xi32, #tpu.memory_space<vmem>> -> memref<1280xi32, #tpu.memory_space<vmem>>
      %dma_start3A_35 = arith.constant 0 : i32
      %dma_start3A_36 = tpu.memref_slice %arg4[%dma_start3A_35] : memref<1280xi32, #tpu.memory_space<hbm>> -> memref<1280xi32, #tpu.memory_space<hbm>>
      %dma_start3A_37 = arith.constant 0 : i32
      %dma_start3A_38 = tpu.memref_slice %arg4[%dma_start3A_37] : memref<1280xi32, #tpu.memory_space<hbm>> -> memref<1280xi32, #tpu.memory_space<hbm>>
      %dma_start3A_39 = arith.constant 0 : i32
      %dma_start3A_40 = tpu.memref_slice %arg7[%dma_start3A_39] : memref<1280xi32, #tpu.memory_space<vmem>> -> memref<1280xi32, #tpu.memory_space<vmem>>
      tpu.enqueue_dma source(%dma_start3A_40 : memref<1280xi32, #tpu.memory_space<vmem>>) target(%dma_start3A_38 : memref<1280xi32, #tpu.memory_space<hbm>>) target_semaphore(%arg9 : memref<!tpu.dma_semaphore, #tpu.memory_space<semaphore_mem>>)
      %dma_start3A_41 = arith.constant 0 : i32
      %dma_start3A_42 = tpu.memref_slice %arg8[%dma_start3A_41] : memref<1280xf32, #tpu.memory_space<vmem>> -> memref<1280xf32, #tpu.memory_space<vmem>>
      %dma_start3A_43 = arith.constant 0 : i32
      %dma_start3A_44 = tpu.memref_slice %arg5[%dma_start3A_43] : memref<1280xf32, #tpu.memory_space<hbm>> -> memref<1280xf32, #tpu.memory_space<hbm>>
      %dma_start3A_45 = arith.constant 0 : i32
      %dma_start3A_46 = tpu.memref_slice %arg5[%dma_start3A_45] : memref<1280xf32, #tpu.memory_space<hbm>> -> memref<1280xf32, #tpu.memory_space<hbm>>
      %dma_start3A_47 = arith.constant 0 : i32
      %dma_start3A_48 = tpu.memref_slice %arg8[%dma_start3A_47] : memref<1280xf32, #tpu.memory_space<vmem>> -> memref<1280xf32, #tpu.memory_space<vmem>>
      tpu.enqueue_dma source(%dma_start3A_48 : memref<1280xf32, #tpu.memory_space<vmem>>) target(%dma_start3A_46 : memref<1280xf32, #tpu.memory_space<hbm>>) target_semaphore(%arg10 : memref<!tpu.dma_semaphore, #tpu.memory_space<semaphore_mem>>)
      %dma_wait3A_49 = arith.constant 0 : i32
      %dma_wait3A_50 = tpu.memref_slice %arg7[%dma_wait3A_49] : memref<1280xi32, #tpu.memory_space<vmem>> -> memref<1280xi32, #tpu.memory_space<vmem>>
      %dma_wait3A_51 = arith.constant 0 : i32
      %dma_wait3A_52 = tpu.memref_slice %arg4[%dma_wait3A_51] : memref<1280xi32, #tpu.memory_space<hbm>> -> memref<1280xi32, #tpu.memory_space<hbm>>
      %dma_wait3A_53 = arith.constant 0 : i32
      %dma_wait3A_54 = tpu.memref_slice %arg4[%dma_wait3A_53] : memref<1280xi32, #tpu.memory_space<hbm>> -> memref<1280xi32, #tpu.memory_space<hbm>>
      %dma_wait3A_55 = arith.constant 0 : i32
      %dma_wait3A_56 = tpu.memref_slice %arg7[%dma_wait3A_55] : memref<1280xi32, #tpu.memory_space<vmem>> -> memref<1280xi32, #tpu.memory_space<vmem>>
      tpu.wait_dma2 semaphore(%arg9 : memref<!tpu.dma_semaphore, #tpu.memory_space<semaphore_mem>>) src(%dma_wait3A_56 : memref<1280xi32, #tpu.memory_space<vmem>>) dst(%dma_wait3A_54 : memref<1280xi32, #tpu.memory_space<hbm>>)
      %dma_wait3A_57 = arith.constant 0 : i32
      %dma_wait3A_58 = tpu.memref_slice %arg8[%dma_wait3A_57] : memref<1280xf32, #tpu.memory_space<vmem>> -> memref<1280xf32, #tpu.memory_space<vmem>>
      %dma_wait3A_59 = arith.constant 0 : i32
      %dma_wait3A_60 = tpu.memref_slice %arg5[%dma_wait3A_59] : memref<1280xf32, #tpu.memory_space<hbm>> -> memref<1280xf32, #tpu.memory_space<hbm>>
      %dma_wait3A_61 = arith.constant 0 : i32
      %dma_wait3A_62 = tpu.memref_slice %arg5[%dma_wait3A_61] : memref<1280xf32, #tpu.memory_space<hbm>> -> memref<1280xf32, #tpu.memory_space<hbm>>
      %dma_wait3A_63 = arith.constant 0 : i32
      %dma_wait3A_64 = tpu.memref_slice %arg8[%dma_wait3A_63] : memref<1280xf32, #tpu.memory_space<vmem>> -> memref<1280xf32, #tpu.memory_space<vmem>>
      tpu.wait_dma2 semaphore(%arg10 : memref<!tpu.dma_semaphore, #tpu.memory_space<semaphore_mem>>) src(%dma_wait3A_64 : memref<1280xf32, #tpu.memory_space<vmem>>) dst(%dma_wait3A_62 : memref<1280xf32, #tpu.memory_space<hbm>>)
    } else {
    }
    return
  }
}

</mosaic_0001>

<sc_bundles>
// kernel: kernel.3.cloned.1.call-start
scs
__scs_entry_jumppad:
0x0: {  	(pc) =	sbr.rel $0x88, $3  }
0x1: {  	(tag) =	ssettag $0x0;
	lr =	simm.s32 $0x1  }
0x2: {  	[smem:$0x3F9F] =	sst lr;
	_ =	strace $0xD0000000  }
0x3: {  	_ = 	snop  }
0x4: {  	_ = 	snop  }
0x5: {  	_ = 	snop  }
0x6: {  	_ = 	snop  }
0x7: {  	_ = 	snop  }
__scs_overlays_trampoline_lowered:
0x8: {  	[smem:$0x3FAE] =	sst s0  }
0x9: {  	[smem:$0x3FAF] =	sst s1  }
0xa: {  	[smem:$0x3FB0] =	sst s2  }
0xb: {  	[smem:$0x3FB1] =	sst s3  }
0xc: {  	[smem:$0x3FB2] =	sst s4  }
0xd: {  	[smem:$0x3FB3] =	sst s5  }
0xe: {  	[smem:$0x3FB4] =	sst s6  }
0xf: {  	[smem:$0x3FB5] =	sst s7  }
0x10: {  	[smem:$0x3FB6] =	sst s8  }
0x11: {  	[smem:$0x3FB7] =	sst s9;
	s0 =	simm.s32 @!p0 $0x0  }
0x12: {  	s1 =	sld [smem:$0x3F9D];
	s0 =	simm.s32 @p0 $0x1  }
0x13: {  	[smem:$0x3FB8] =	sst s0;
	s0 =	simm.s32 @!p1 $0x0  }
0x14: {  	s2 =	sld [smem:$0x3F9C];
	s0 =	simm.s32 @p1 $0x1  }
0x15: {  	[smem:$0x3FB9] =	sst s0;
	s0 =	simm.s32 @!p2 $0x0  }
0x16: {  	s3 =	sld [smem:$0x3FDB];
	s0 =	simm.s32 @p2 $0x1  }
0x17: {  	s4 =	simm.s32 $0x1BF5;
	[smem:$0x3FBB] =	sst s0  }
0x18: {  	s0 =	sld [smem:$0x3F9E];
	_ =	swait.ge [sflag:s4], $0x0  }
0x19: {  	s7 =	sld [smem:$0x3F9F]  }
0x1a: {  	s8 =	sadd.s32 $0xFFFFE003, lr  }
0x1b: {  	s9 =	sadd.s32 $0xFFFFFEF7, lr;
	s5 =	simm.s32 $0xFFFFFFFF;
	p2 =	slt.u32 s8, $0xFFFFF086  }
0x1c: {  	p1 =	slt.u32 s9, $0xF7A;
	s5 =	simm.s32 @!p2 $0x0  }
0x1d: {  	s5 =	simm.s32 @p1 $0x1;
	p0 =	seq.s32 s7, s2  }
0x1e: {  	s7 =	smul.u32 @!p0 $0xF7A, s2;
	p2 =	seq.s32 @!p0 s5, $0x0  }
0x1f: {  	s9 =	smul.u32 $0xF7A, s1;
	s8 =	simm.s32 @!p0 $0x1BF5;
	p2 =	por !p2, p0  }
0x20: {  	[sflag:s8] =	ssyncset.s32 @!p0 $0xFFFFF086;
	s6 =	sadd.s32 @!p0 s3, s7;
	s7 =	simm.s32 @!p0 $0x108  }
0x21: {  	s3 =	sadd.s32 s3, s9;
	s6 =	sadd.s32 @!p0 $0x88, s6;
	s7 =	simm.s32 @p2 $0x1082  }
0x22: {  	[simem:s7], [sflag:s8] =	dma.local @!p0 [hbm:s6], $0xF7A  }
0x23: {  	s9 =	sor.u32 $0xD0000000, s2;
	s6 =	simm.s32 $0x108;
	_ =	swait.ge @!p0 [sflag:s8], $0x0  }
0x24: {  	s3 =	sadd.s32 $0x88, s3;
	s6 =	simm.s32 @!p1 $0x1082;
	[sflag:s4] =	ssyncset.s32 $0xFFFFF086  }
0x25: {  	[simem:s6], [sflag:s4] =	dma.local [hbm:s3], $0xF7A  }
0x26: {  	[smem:$0x3F9F] =	sst s1;
	(tag) =	ssettag s2;
	_ =	strace s9  }
0x27: {  	s1 =	sld [smem:$0x3FAF]  }
0x28: {  	s2 =	sld [smem:$0x3FB0]  }
0x29: {  	s4 =	sld [smem:$0x3FB2]  }
0x2a: {  	p0 =	seq.s32 s5, $0x0;
	s5 =	sld [smem:$0x3FB3]  }
0x2b: {  	s6 =	sld [smem:$0x3FB4]  }
0x2c: {  	s7 =	sld [smem:$0x3FB5]  }
0x2d: {  	s3 =	simm.s32 $0x108;
	s8 =	sld [smem:$0x3FB6]  }
0x2e: {  	s3 =	simm.s32 @!p0 $0x1082;
	s9 =	sld [smem:$0x3FB7]  }
0x2f: {  	lr =	sadd.s32 s0, s3;
	s0 =	sld [smem:$0x3FAE]  }
0x30: {  	s3 =	sld [smem:$0x3FB1]  }
0x31: {  	[smem:$0x3FBA] =	sst s10  }
0x32: {  	s10 =	sld [smem:$0x3FB8];
	_ =	sdelay $0x3  }
0x33: {  	p0 =	seq.s32 s10, $0x1;
	s10 =	sld [smem:$0x3FBA];
	_ =	sdelay $0x3  }
0x34: {  	[smem:$0x3FBA] =	sst s10  }
0x35: {  	s10 =	sld [smem:$0x3FB9];
	_ =	sdelay $0x3  }
0x36: {  	p1 =	seq.s32 s10, $0x1;
	s10 =	sld [smem:$0x3FBA];
	_ =	sdelay $0x3  }
0x37: {  	[smem:$0x3FBA] =	sst s10  }
0x38: {  	s10 =	sld [smem:$0x3FBB]  }
0x39: {  	_ = 	snop;
	(pc) =	sbr.ind lr, $3  }
0x3a: {  	_ = 	snop  }
0x3b: {  	_ = 	snop  }
0x3c: {  	p2 =	seq.s32 s10, $0x1;
	s10 =	sld [smem:$0x3FBA]  }
0x3d: {  	_ =	shalt  }
0x3e: {  	_ =	shalt  }
0x3f: {  	_ =	shalt  }
0x40: {  	_ =	shalt  }
0x41: {  	_ =	shalt  }
0x42: {  	_ =	shalt  }
0x43: {  	_ =	shalt  }
0x44: {  	_ =	shalt  }
0x45: {  	_ =	shalt  }
0x46: {  	_ =	shalt  }
0x47: {  	_ =	shalt  }
0x48: {  	_ =	shalt  }
0x49: {  	_ =	shalt  }
0x4a: {  	_ =	shalt  }
0x4b: {  	_ =	shalt  }
0x4c: {  	_ =	shalt  }
0x4d: {  	_ =	shalt  }
0x4e: {  	_ =	shalt  }
0x4f: {  	_ =	shalt  }
0x50: {  	_ =	shalt  }
0x51: {  	_ =	shalt  }
0x52: {  	_ =	shalt  }
0x53: {  	_ =	shalt  }
0x54: {  	_ =	shalt  }
0x55: {  	_ =	shalt  }
0x56: {  	_ =	shalt  }
0x57: {  	_ =	shalt  }
0x58: {  	_ =	shalt  }
0x59: {  	_ =	shalt  }
0x5a: {  	_ =	shalt  }
0x5b: {  	_ =	shalt  }
0x5c: {  	_ =	shalt  }
0x5d: {  	_ =	shalt  }
0x5e: {  	_ =	shalt  }
0x5f: {  	_ =	shalt  }
0x60: {  	_ =	shalt  }
0x61: {  	_ =	shalt  }
0x62: {  	_ =	shalt  }
0x63: {  	_ =	shalt  }
0x64: {  	_ =	shalt  }
0x65: {  	_ =	shalt  }
0x66: {  	_ =	shalt  }
0x67: {  	_ =	shalt  }
0x68: {  	_ =	shalt  }
0x69: {  	_ =	shalt  }
0x6a: {  	_ =	shalt  }
0x6b: {  	_ =	shalt  }
0x6c: {  	_ =	shalt  }
0x6d: {  	_ =	shalt  }
0x6e: {  	_ =	shalt  }
0x6f: {  	_ =	shalt  }
0x70: {  	_ =	shalt  }
0x71: {  	_ =	shalt  }
0x72: {  	_ =	shalt  }
0x73: {  	_ =	shalt  }
0x74: {  	_ =	shalt  }
0x75: {  	_ =	shalt  }
0x76: {  	_ =	shalt  }
0x77: {  	_ =	shalt  }
0x78: {  	_ =	shalt  }
0x79: {  	_ =	shalt  }
0x7a: {  	_ =	shalt  }
0x7b: {  	_ =	shalt  }
0x7c: {  	_ =	shalt  }
0x7d: {  	_ =	shalt  }
0x7e: {  	_ =	shalt  }
0x7f: {  	_ =	shalt  }
0x80: {  	_ =	shalt  }
0x81: {  	_ =	shalt  }
0x82: {  	_ =	shalt  }
0x83: {  	_ =	shalt  }
0x84: {  	_ =	shalt  }
0x85: {  	_ =	shalt  }
0x86: {  	_ =	shalt  }
0x87: {  	_ =	shalt  }
.Lfunc_end0:
.L_simem_size_0:
called_computation_lowered:
.L_overlay_start_0:
0x88: {  	s0 =	sld [smem:$0x3FD9]  }
0x89: {  	s1 =	sld [smem:$0x3FFE];
	_ =	sdelay $0x3  }
0x8a: {  	s0 =	sadd.s32 s1, s0  }
0x8b: {  	[smem:$0x3FC6] =	sst s0  }
0x8c: {  	_ = 	snop  }
0x8d: {  	s0 =	sld [smem:$0x3FD0];
	_ =	sdelay $0x1  }
0x8e: {  	s13 =	sld [smem:$0x3FC9]  }
0x8f: {  	s3 =	simm.s32 $0xA;
	s4 =	simm.s32 $0x10;
	s2 =	sld [smem:$0x3FC8]  }
0x90: {  	[smem:s4], [sflag:s3] =	dma.local [hbm:s0], $0x1  }
0x91: {  	_ =	swait.eq [sflag:s3], $0x1  }
0x92: {  	[sflag:s3] =	ssyncset.done $0x0  }
0x93: {  	[sflag:s3] =	ssyncadd.s32 $0xFFFFFFFF  }
0x94: {  	s14 =	sld [smem:$0x11];
	(tm) =	ssettm $0x1  }
0x95: {  	s15 =	sld [smem:$0x3FFB];
	_ =	sdelay $0x3  }
0x96: {  	_ =	strace s15  }
0x97: {  	s3 =	sld [smem:$0x3FFC];
	_ =	sdelay $0x3  }
0x98: {  	_ =	strace s3  }
0x99: {  	s3 =	sld [smem:$0x3FFD];
	_ =	sdelay $0x3  }
0x9a: {  	_ =	strace s3  }
0x9b: {  	_ =	strace $0x8FFFFFFF  }
0x9c: {  	s16 =	sld [smem:$0x3FDB];
	_ =	sdelay $0x1  }
0x9d: {  	s17 =	simm.s32 $_scs_section_size  }
0x9e: {  	s5 =	simm.s32 $_size__tile_overlayer_lowered;
	s6 =	simm.s32 $_tile_overlayer_lowered  }
0x9f: {  	s20 =	simm.s32 $0x1BFF;
	s19 =	sshll.u32 s6, $0x1;
	s3 =	sadd.s32 s17, s16  }
0xa0: {  	s7 =	simm.s32 $0x0;
	s18 =	sshll.u32 s5, $0x1;
	s5 =	sadd.s32 s19, s3  }
0xa1: {  	[timem:s7], [sflag:s20] =	dma.local [hbm:s5], s18  }
0xa2: {  	_ =	swait.ge [sflag:s20], s18  }
0xa3: {  	s4 =	ssub.s32 $0x0, s18;
	[sflag:s20] =	ssyncset.done $0x0  }
0xa4: {  	[sflag:s20] =	ssyncadd.s32 s4;
	_ =	sdelay $0x1  }
0xa5: {  	s21 =	simm.s32 $0x1B8B  }
0xa6: {  	_ =	swait.ge [sflag:s21], $0x1  }
0xa7: {  	[sflag:s21] =	ssyncset.done $0x0  }
0xa8: {  	s23 =	simm.s32 $0x1B8E;
	s22 =	sld [smem:$0x3FFE];
	[sflag:s21] =	ssyncadd.s32 $0xFFFFFFFF  }
0xa9: {  	s24 =	simm.s32 $execute0_lowered;
	[smem:$0x3FD2] =	sst s23  }
0xaa: {  	s5 =	sshll.u32 s24, $0x1;
	_ =	strace $0x80000046;
	[dreg:$0x1] =	wrdreg $0xFFFFFFFF  }
0xab: {  	s25 =	simm.s32 $_size_execute0_lowered;
	s3 =	sadd.s32 s3, s5;
	[dreg:$0x0] =	wrdreg $0x0  }
0xac: {  	s5 =	sshll.u32 s25, $0x1;
	[dreg:$0x2] =	wrdreg s3  }
0xad: {  	[dreg:$0x3] =	wrdreg s5  }
0xae: {  	[dreg:$0x4] =	wrdreg $0xC0  }
0xaf: {  	_ =	task [dreg:s7], $0x5FFFF  }
0xb0: {  	[dreg:$0x1] =	wrdreg $0xFFFFFFFF  }
0xb1: {  	[dreg:$0x0] =	wrdreg $0x60  }
0xb2: {  	[dreg:$0x2] =	wrdreg s13  }
0xb3: {  	[dreg:$0x3] =	wrdreg s2  }
0xb4: {  	[dreg:$0x4] =	wrdreg s14  }
0xb5: {  	[dreg:$0x5] =	wrdreg s22  }
0xb6: {  	[dreg:$0x6] =	wrdreg $0x9  }
0xb7: {  	_ =	task.clear_ibuf [dreg:s7], $0x7FFFF;
	_ =	strace $0x90000046  }
0xb8: {  	s26 =	simm.s32 $0x9;
	_ =	strace $0x80000048  }
0xb9: {  	_ =	swait.ge [sflag:s26], $0x1  }
0xba: {  	[sflag:s26] =	ssyncadd.s32 $0xFFFFFFFF  }
0xbb: {  	_ =	strace $0x90000048  }
0xbc: {  	_ =	sfence  }
0xbd: {  	s28 =	sld [smem:$0x0];
	_ =	sdelay $0x1  }
0xbe: {  	s29 =	srdreg.scid  }
0xbf: {  	s30 =	sshll.u32 s29, $0xD;
	s31 =	sshrl.u32 s29, $0x2  }
0xc0: {  	s1 =	sand.u32 $0x1, s29;
	s2 =	sand.u32 $0x4000, s30;
	s0 =	sadd.s32 s31, s28  }
0xc1: {  	s1 =	sor.u32 s2, s1;
	s0 =	sshll.u32 s0, $0x11  }
0xc2: {  	s0 =	sor.u32 s0, s1  }
0xc3: {  	s0 =	sadd.s32 $0x8F2B, s0  }
0xc4: {  	[sflag:s0] =	ssyncadd.remote.s32 $0x1  }
0xc5: {  	_ =	sfence.sel $0xFFFF  }
0xc6: {  	[dreg:$0x0] =	wrdreg $0xFFFFFFFF;
	(pc) =	sbr.abs _section_cstart, $3  }
0xc7: {  	[dreg:$0x1] =	wrdreg $0xFFFFFFFF  }
0xc8: {  	_ =	task.clear_ibuf [dreg:s7], $0x2FFFF;
	_ =	strace $0x9FFFFFFF  }
0xc9: {  	(tm) =	ssettm $0x7FFFFFFF  }
tec
execute0_lowered:
.L_overlay_start_1:
0x0: {  	(tag) =	ssettag $0x1  }
0x1: {  	s4 =	rddreg [dreg:$0x0]  }
0x2: {  	s3 =	rddreg [dreg:$0x1]  }
0x3: {  	s1 =	rddreg [dreg:$0x2]  }
0x4: {  	s2 =	rddreg [dreg:$0x3];
	s5 =	stileid.u32  }
0x5: {  	s0 =	rddreg [dreg:$0x4];
	_ =	strace $0x80000047;
	p0 =	sne.s32 s5, $0x0  }
0x6: {  	_ =	sfence.sel @p0 $0x180000  }
0x7: {  	[bflag:$0x0] =	sbarrier.arrive @p0 $0xFFFF  }
0x8: {  	_ =	strace @p0 $0x90000047  }
0x9: {  	[bflag:$0x2] =	sbarrier.arrive @p0 $0xFFFF  }
0xa: {  	_ =	shalt @p0  }
.LBB2_1:
0xb: {  	s5 =	simm.s32 $0x0  }
0xc: {  	v0 =	vimm.f32 $0.0e+00;
	[tilespmem:s5], [sflag:$0x1] =	stream.linear.gather [hbm4b:s4+s5], $0x3E8, $0x38;
	[tilespmem:$0xF00] =	vst v63  }
0xd: {  	[tilespmem:$0x4E0] =	vst v0  }
0xe: {  	s28 =	simm.s32 $0x3E8;
	s29 =	simm.s32 $0x1;
	[tilespmem:$0x4F0] =	vst v0  }
0xf: {  	[tilespmem:s28], [sflag:$0x2] =	stream.linear.gather [hbm4b:s3+s5], $0x100, $0x38;
	[tilespmem:$0xF00] =	vst v63  }
0x10: {  	_ =	swait.ge [sflag:s29], $0x3E8  }
0x11: {  	[sflag:s29] =	ssyncset.done $0x0  }
0x12: {  	s30 =	simm.s32 $0x2;
	[sflag:s29] =	ssyncadd.s32 $0xFFFFFC18  }
0x13: {  	_ =	swait.ge [sflag:s30], $0x100  }
0x14: {  	[sflag:s30] =	ssyncset.done $0x0  }
0x15: {  	s31 =	simm.s32 $0x20;
	[sflag:s30] =	ssyncadd.s32 $0xFFFFFF00  }
0x16: {  	v1 =	vld [tilespmem:s31+$0xFFFFFFE0];
	_ =	sdelay $0x2  }
0x17: {  	v2 =	vld [tilespmem:s31+$0xFFFFFFF0];
	_ =	sdelay $0x1  }
0x18: {  	v3 =	vadd.f32 v1, v0;
	v0 =	vld [tilespmem:s31+$0x0];
	_ =	sdelay $0x1  }
0x19: {  	v1 =	vld [tilespmem:s31+$0x10]  }
0x1a: {  	s2 =	sadd.s32 $0xA00, s2;
	s4 =	simm.s32 $0x60;
	s3 =	simm.s32 $0x0;
	v2 =	vadd.f32 v2, v3  }
.LBB2_2:
0x1b: {  	v3 =	vld [tilespmem:s4+$0xFFFFFFE0];
	s3 =	sadd.s32 $0x4, s3  }
0x1c: {  	p0 =	slt.u32 s3, $0x4C;
	v0 =	vadd.f32 v0, v2  }
0x1d: {  	v2 =	vld [tilespmem:s4+$0xFFFFFFF0]  }
.Ltmp0:
0x1e: {  	v1 =	vadd.f32 v1, v0;
	(pc) =	sbr.rel @p0 .LBB2_2-.Ltmp0, $4  }
0x1f: {  	v0 =	vld [tilespmem:s4+$0x0]  }
0x20: {  	v3 =	vadd.f32 v3, v1  }
0x21: {  	v1 =	vld [tilespmem:s4+$0x10]  }
0x22: {  	s4 =	sadd.s32 $0x40, s4;
	v2 =	vadd.f32 v2, v3  }
0x23: {  	_ = 	snop  }
0x24: {  	v0 =	vadd.f32 v0, v2;
	_ =	sdelay $0x1  }
0x25: {  	v0 =	vadd.f32 v1, v0;
	_ =	sdelay $0x1  }
0x26: {  	(xrf2) =	vadd.scan.msk.f32 $0xffff, v0;
	_ =	sdelay $0x9  }
0x27: {  	v0, _, _ =	vpop (xrf2)  }
0x28: {  	(v2sf) =	vpush v0, $0xF;
	_ =	sdelay $0x2  }
0x29: {  	s3 =	simm.s32 $0x20  }
0x2a: {  	v1 =	vld [tilespmem:s3+$0xFFFFFFE0]  }
0x2b: {  	v4 =	vld [tilespmem:s3+$0xFFFFFFF0]  }
0x2c: {  	v5 =	vld [tilespmem:s3+$0x0]  }
0x2d: {  	v6 =	vld [tilespmem:s3+$0x10];
	_ =	sdelay $0x1  }
0x2e: {  	v3 =	vimm.s32 $0x0;
	vm3 =	veq.f32 v1, $1.000000000e+00  }
0x2f: {  	s28 =	simm.s32 $0x0;
	v2 =	vlaneseq.u32;
	v7 =	vsel vm3, $0x1, v3  }
0x30: {  	v11 =	vor.u32 s28, v2;
	vm2 =	veq.f32 v4, $1.000000000e+00;
	vm1 =	veq.f32 v5, $1.000000000e+00;
	(xrf0) =	vadd.scan.msk.s32 $0xffff, v7  }
0x31: {  	vm0 =	veq.f32 v6, $1.000000000e+00;
	v4 =	vsel vm2, $0x1, v3;
	v8 =	vmpcnt.ones.xlane vm3  }
0x32: {  	v10 =	vsel vm0, $0x1, v3;
	v12 =	vsel vm2, $0xFFFFFFFF, v3;
	v7 =	vmpcnt.ones.xlane vm2;
	(xrf0) =	vadd.scan.msk.s32 $0xffff, v4  }
0x33: {  	v13 =	vsel vm1, $0xFFFFFFFF, v3;
	v5 =	vadd.s32 v3, v8;
	v4 =	vsel vm1, $0x1, v3  }
0x34: {  	v8 =	vmpcnt.ones.xlane vm1;
	v6 =	vadd.s32 v5, v7;
	v7 =	vmpcnt.ones.xlane vm0;
	(xrf0) =	vadd.scan.msk.s32 $0xffff, v4;
	s4 =	spop (v2sf)  }
0x35: {  	v4 =	vsel vm3, $0xFFFFFFFF, v3;
	v5 =	vadd.s32 v12, v5;
	(xrf0) =	vadd.scan.msk.s32 $0xffff, v10;
	v10 =	vsel vm0, $0xFFFFFFFF, v3;
	s4 =	scvt.f32.s32 s4  }
0x36: {  	v8 =	vadd.s32 v6, v8;
	v4 =	vadd.s32 v4, v3;
	v13 =	vadd.s32 v13, v6;
	v12, _, _ =	vpop (xrf0)  }
0x37: {  	s29 =	simm.s32 $0x10;
	v7 =	vadd.s32 v8, v7;
	v4 =	vadd.s32 v12, v4;
	v0 =	vmov s4  }
0x38: {  	v8 =	vadd.s32 v10, v8;
	v12 =	vor.u32 s29, v2;
	v10, _, _ =	vpop (xrf0);
	v9 =	vadd.s32 v0, v11  }
0x39: {  	s30 =	simm.s32 $0x20;
	v10 =	vadd.s32 v10, v5;
	v5 =	vadd.s32 v0, v12;
	v9 =	vsub.s32 v9, v4  }
0x3a: {  	v6 =	vor.u32 s30, v2;
	v14 =	vsel vm3, v4, v9;
	v4, _, _ =	vpop (xrf0);
	v9 =	vsub.s32 v5, v10  }
0x3b: {  	s6 =	simm.s32 $0x60;
	v4 =	vadd.s32 v4, v13;
	v13 =	vadd.s32 v0, v6  }
0x3c: {  	s31 =	simm.s32 $0x30;
	v15 =	vsel vm2, v10, v9;
	v10 =	vsub.s32 v13, v4;
	v13 =	vld [tilespmem:s6+$0xFFFFFFF0]  }
0x3d: {  	v5 =	vor.u32 s31, v2;
	v9, _, _ =	vpop (xrf0)  }
0x3e: {  	v16 =	vld [tilespmem:s6+$0xFFFFFFE0];
	v1 =	vimm.f32 $0.0e+00;
	v8 =	vadd.s32 v9, v8;
	v9 =	vadd.s32 v0, v5  }
0x3f: {  	v17 =	vld [tilespmem:s6+$0x0];
	s3 =	simm.s32 $0x500;
	v10 =	vsel vm1, v4, v10;
	vm1 =	vlt.s32 v11, v0;
	v9 =	vsub.s32 v9, v8  }
0x40: {  	vm2 =	vlt.s32 v6, v0;
	[tilespmem:v14+s3+$0x0] =	vst.idx.msk $0xffff, v11;
	v11 =	vsel vm1, $0x3F800000, v1;
	v8 =	vsel vm0, v8, v9  }
0x41: {  	s5 =	simm.s32 $0x40;
	s4 =	simm.s32 $0xA20;
	vm0 =	vlt.s32 v12, v0;
	[tilespmem:v15+s3+$0x0] =	vst.idx.msk $0xffff, v12;
	v12 =	vsel vm2, $0x3F800000, v1;
	vm2 =	veq.f32 v13, $1.000000000e+00;
	v13 =	vld [tilespmem:s6+$0x10]  }
0x42: {  	v4 =	vor.u32 s5, v2;
	[tilespmem:s4+$0xFFFFFFE0] =	vst v11;
	v11 =	vsel vm0, $0x3F800000, v1  }
0x43: {  	vm3 =	vlt.s32 v5, v0;
	vm1 =	veq.f32 v16, $1.000000000e+00;
	v9 =	vadd.s32 v0, v4  }
0x44: {  	v18 =	vsel vm1, $0x1, v3;
	v14 =	vmpcnt.ones.xlane vm1;
	vm0 =	veq.f32 v17, $1.000000000e+00  }
0x45: {  	s7 =	simm.s32 $0x4;
	(xrf0) =	vadd.scan.msk.s32 $0xffff, v18;
	[tilespmem:s4+$0xFFFFFFF0] =	vst v11;
	v16 =	vsel vm2, $0x1, v3;
	v15 =	vmpcnt.ones.xlane vm2;
	v11 =	vmovc v7  }
.LBB2_4:
0x46: {  	s7 =	sadd.s32 $0x4, s7;
	v14 =	vadd.s32 v7, v14;
	v7 =	vmpcnt.ones.xlane vm0;
	vm4 =	veq.f32 v13, $1.000000000e+00;
	(xrf0) =	vadd.scan.msk.s32 $0xffff, v16  }
0x47: {  	p0 =	slt.u32 s7, $0x4C;
	v13 =	vadd.s32 v14, v15;
	v15 =	vsel vm0, $0x1, v3;
	v16 =	vmpcnt.ones.xlane vm4;
	[tilespmem:v10+s3+$0x0] =	vst.idx.msk $0xffff, v6  }
0x48: {  	v6 =	vsel vm1, $0xFFFFFFFF, v3;
	v17 =	vsel vm4, $0x1, v3;
	v10 =	vadd.s32 v13, v7;
	(xrf0) =	vadd.scan.msk.s32 $0xffff, v15  }
0x49: {  	v18 =	vsel vm0, $0xFFFFFFFF, v3;
	v15 =	vsel vm2, $0xFFFFFFFF, v3;
	v7 =	vadd.s32 v10, v16;
	(xrf0) =	vadd.scan.msk.s32 $0xffff, v17  }
0x4a: {  	v13 =	vadd.s32 v18, v13;
	v14 =	vadd.s32 v15, v14;
	v15 =	vsel vm4, $0xFFFFFFFF, v3;
	[tilespmem:s4+$0x0] =	vst v12  }
0x4b: {  	s8 =	sadd.s32 $0x10, s5;
	s9 =	sadd.s32 $0x20, s5;
	v6 =	vadd.s32 v6, v11;
	v10 =	vadd.s32 v15, v10;
	v11, _, _ =	vpop (xrf0);
	[tilespmem:v8+s3+$0x0] =	vst.idx.msk $0xffff, v5;
	v5 =	vsel vm3, $0x3F800000, v1  }
0x4c: {  	v12 =	vor.u32 s8, v2;
	v8 =	vadd.s32 v11, v6;
	v6 =	vor.u32 s9, v2;
	v11, _, _ =	vpop (xrf0);
	[tilespmem:s4+$0x10] =	vst v5  }
0x4d: {  	s8 =	sadd.s32 $0x30, s5;
	v16 =	vadd.s32 v0, v12;
	v5 =	vsub.s32 v9, v8;
	v9 =	vadd.s32 v11, v14;
	v11 =	vmovc v7  }
0x4e: {  	v15 =	vsel vm1, v8, v5;
	v8 =	vsub.s32 v16, v9;
	v5 =	vor.u32 s8, v2;
	v14, _, _ =	vpop (xrf0)  }
0x4f: {  	s6 =	sadd.s32 $0x40, s6;
	v16 =	vsel vm2, v9, v8;
	v8 =	vadd.s32 v14, v13;
	v9 =	vadd.s32 v0, v6;
	v13, _, _ =	vpop (xrf0)  }
0x50: {  	v17 =	vadd.s32 v0, v5;
	v14 =	vld [tilespmem:s6+$0xFFFFFFE0];
	v9 =	vsub.s32 v9, v8;
	v13 =	vadd.s32 v13, v10  }
0x51: {  	s5 =	sadd.s32 $0x40, s5;
	v18 =	vld [tilespmem:s6+$0xFFFFFFF0];
	v10 =	vsel vm0, v8, v9;
	v8 =	vsub.s32 v17, v13  }
0x52: {  	v17 =	vor.u32 s5, v2;
	vm0 =	vlt.s32 v4, v0;
	v19 =	vld [tilespmem:s6+$0x0];
	v8 =	vsel vm4, v13, v8  }
.Ltmp1:
0x53: {  	s4 =	sadd.s32 $0x40, s4;
	v9 =	vadd.s32 v0, v17;
	v13 =	vld [tilespmem:s6+$0x10];
	[tilespmem:v15+s3+$0x0] =	vst.idx.msk $0xffff, v4;
	v15 =	vsel vm0, $0x3F800000, v1;
	v4 =	vmov v17;
	(pc) =	sbr.rel @p0 .LBB2_4-.Ltmp1, $4  }
0x54: {  	vm2 =	vlt.s32 v6, v0;
	vm3 =	vlt.s32 v5, v0;
	vm0 =	vlt.s32 v12, v0;
	[tilespmem:s4+$0xFFFFFFE0] =	vst v15  }
0x55: {  	v15 =	vsel vm0, $0x3F800000, v1;
	vm1 =	veq.f32 v14, $1.000000000e+00;
	[tilespmem:v16+s3+$0x0] =	vst.idx.msk $0xffff, v12;
	v12 =	vsel vm2, $0x3F800000, v1  }
0x56: {  	v17 =	vsel vm1, $0x1, v3;
	v14 =	vmpcnt.ones.xlane vm1;
	vm2 =	veq.f32 v18, $1.000000000e+00;
	[tilespmem:s4+$0xFFFFFFF0] =	vst v15  }
0x57: {  	v16 =	vsel vm2, $0x1, v3;
	v15 =	vmpcnt.ones.xlane vm2;
	vm0 =	veq.f32 v19, $1.000000000e+00;
	(xrf0) =	vadd.scan.msk.s32 $0xffff, v17  }
0x58: {  	_ = 	snop  }
0x59: {  	(xrf0) =	vadd.scan.msk.s32 $0xffff, v16  }
0x5a: {  	v7 =	vadd.s32 v7, v14;
	v40 =	vmpcnt.ones.xlane vm0;
	v41 =	vsel vm0, $0x1, v3  }
0x5b: {  	vm4 =	veq.f32 v13, $1.000000000e+00;
	v43 =	vsel vm1, $0xFFFFFFFF, v3;
	v44 =	vsel vm2, $0xFFFFFFFF, v3;
	(xrf0) =	vadd.scan.msk.s32 $0xffff, v41  }
0x5c: {  	v45 =	vsel vm0, $0xFFFFFFFF, v3;
	v51 =	vsel vm3, $0x3F800000, v1;
	v42 =	vsel vm4, $0x1, v3  }
0x5d: {  	vm12 =	vlt.s32 v4, v0;
	v15 =	vadd.s32 v7, v15;
	v11 =	vadd.s32 v43, v11;
	(xrf0) =	vadd.scan.msk.s32 $0xffff, v42;
	v46, _, _ =	vpop (xrf0)  }
0x5e: {  	s6 =	sadd.s32 $0x10, s5;
	s23 =	sadd.s32 $0x20, s5;
	[tilespmem:v10+s3+$0x0] =	vst.idx.msk $0xffff, v6;
	v7 =	vadd.s32 v44, v7;
	v47 =	vsel vm4, $0xFFFFFFFF, v3;
	v11 =	vadd.s32 v46, v11  }
0x5f: {  	[tilespmem:v8+s3+$0x0] =	vst.idx.msk $0xffff, v5;
	v48 =	vor.u32 s6, v2;
	v52 =	vor.u32 s23, v2;
	v49, _, _ =	vpop (xrf0);
	v9 =	vsub.s32 v9, v11  }
0x60: {  	v50 =	vadd.s32 v0, v48;
	v7 =	vadd.s32 v49, v7;
	v9 =	vsel vm1, v11, v9  }
0x61: {  	v14 =	vadd.s32 v15, v40;
	v15 =	vadd.s32 v45, v15;
	v54, _, _ =	vpop (xrf0);
	v53 =	vsub.s32 v50, v7  }
0x62: {  	s24 =	sadd.s32 $0x30, s5;
	v56 =	vadd.s32 v0, v52;
	v55 =	vadd.s32 v54, v15;
	v7 =	vsel vm2, v7, v53  }
0x63: {  	[tilespmem:s4+$0x0] =	vst v12;
	v58 =	vor.u32 s24, v2;
	v3 =	vadd.s32 v47, v14;
	v57, _, _ =	vpop (xrf0);
	v59 =	vsub.s32 v56, v55  }
0x64: {  	[tilespmem:s4+$0x10] =	vst v51;
	v60 =	vadd.s32 v0, v58;
	v3 =	vadd.s32 v57, v3;
	v5 =	vsel vm0, v55, v59  }
0x65: {  	s25 =	sadd.s32 $0x40, s4;
	v61 =	vsel vm12, $0x3F800000, v1;
	v6 =	vsub.s32 v60, v3;
	[tilespmem:v9+s3+$0x0] =	vst.idx.msk $0xffff, v4  }
0x66: {  	vm13 =	vlt.s32 v48, v0;
	v3 =	vsel vm4, v3, v6;
	[tilespmem:s25+$0xFFFFFFE0] =	vst v61  }
0x67: {  	v62 =	vsel vm13, $0x3F800000, v1;
	[tilespmem:v7+s3+$0x0] =	vst.idx.msk $0xffff, v48  }
0x68: {  	vm14 =	vlt.s32 v52, v0;
	[tilespmem:s25+$0xFFFFFFF0] =	vst v62  }
0x69: {  	v63 =	vsel vm14, $0x3F800000, v1;
	[tilespmem:v5+s3+$0x0] =	vst.idx.msk $0xffff, v52  }
0x6a: {  	vm15 =	vlt.s32 v58, v0;
	[tilespmem:s25+$0x0] =	vst v63  }
0x6b: {  	v0 =	vsel vm15, $0x3F800000, v1;
	[tilespmem:v3+s3+$0x0] =	vst.idx.msk $0xffff, v58  }
0x6c: {  	s26 =	simm.s32 $0x0;
	s28 =	simm.s32 $0x500;
	[tilespmem:s25+$0x10] =	vst v0  }
0x6d: {  	[hbm4b:s1+s26] =	stream.linear.scatter [tilespmem:s28], [sflag:$0x1], $0x500, $0x38;
	[tilespmem:$0xF00] =	vst v63  }
0x6e: {  	s29 =	simm.s32 $0xA00;
	s30 =	simm.s32 $0x1  }
0x6f: {  	[hbm4b:s2+s26] =	stream.linear.scatter [tilespmem:s29], [sflag:$0x2], $0x500, $0x38;
	[tilespmem:$0xF00] =	vst v63  }
0x70: {  	_ =	swait.ge [sflag:s30], $0x500  }
0x71: {  	[sflag:s30] =	ssyncset.done $0x0  }
0x72: {  	s31 =	simm.s32 $0x2;
	[sflag:s30] =	ssyncadd.s32 $0xFFFFFB00  }
0x73: {  	_ =	swait.ge [sflag:s31], $0x500  }
0x74: {  	[sflag:s31] =	ssyncset.done $0x0  }
0x75: {  	[sflag:s31] =	ssyncadd.s32 $0xFFFFFB00  }
0x76: {  	_ =	sfence.sel $0x180000  }
0x77: {  	[bflag:$0x0] =	sbarrier.arrive $0xFFFF  }
0x78: {  	_ =	strace $0x90000047  }
0x79: {  	s0 =	sadd.s32 $0x100000, s0;
	[bflag:$0x2] =	sbarrier.arrive $0xFFFF  }
0x7a: {  	[sflag:s0] =	ssyncadd.tile.s32 $0x1;
	_ =	shalt  }
.Lfunc_end2:
_tile_overlayer_lowered:
.L_overlay_start_2:
0x7b: {  	(tag) =	ssettag $0x2  }
0x7c: {  	s0 =	rddreg [dreg:$0x0];
	s2 =	stileid.u32  }
0x7d: {  	s1 =	rddreg [dreg:$0x1];
	p0 =	sne.s32 s2, $0x0  }
0x7e: {  	s3 =	rddreg [dreg:$0x2];
	[bflag:$0x3] =	sbarrier.arrive $0xFFFF;
	s2 =	simm.s32 @!p0 $0x1C03  }
0x7f: {  	[timem:s3], [sflag:s2] =	dma.local @!p0 [hbm:s0], s1  }
0x80: {  	s0 =	simm.s32 @!p0 $0x3  }
0x81: {  	_ =	swait.ge @!p0 [sflag:s0], s1  }
0x82: {  	s1 =	ssub.s32 @!p0 $0x0, s1;
	[sflag:s0] =	ssyncset.done @!p0 $0x0  }
0x83: {  	[sflag:s0] =	ssyncadd.s32 @!p0 s1  }
0x84: {  	[bflag:$0x3] =	sbarrier.arrive $0xFFFF  }
0x85: {  	_ =	shalt  }

</sc_bundles>
